<compile_context>
chip_gen: v7x
topology: tpu7x:2x2x1
jax: 0.10.2.dev20260603
libtpu: 0.0.44.dev20260713+nightly
codegen_flags: <defaults>
</compile_context>

<pallas_src>
import jax
import jax.numpy as jnp
from jax import lax
from jax.experimental import pallas as pl
from jax.experimental.pallas import tpu as pltpu
from jax.experimental.pallas import tpu_sc as plsc

_EOS = 8191
_L = 16
_W = 128


def _pool_body(hs_hbm, ids_hbm, mask_hbm, out_hbm,
               mask_v, ids_v, slv_v, hs_v, sem, sem2, sem3):
    s = lax.axis_index("s")

    @pl.when(s == 0)
    def _():
        iota = lax.iota(jnp.int32, _L)
        S = mask_v.shape[1]

        half = S // 2
        cp_a = pltpu.async_copy(mask_hbm.at[pl.ds(0, 1), pl.ds(0, half)],
                                mask_v.at[pl.ds(0, 1), pl.ds(0, half)], sem2)
        cp_b = pltpu.async_copy(mask_hbm.at[pl.ds(0, 1), pl.ds(half, half)],
                                mask_v.at[pl.ds(0, 1), pl.ds(half, half)],
                                sem3)

        def _sum_step(i, acc):
            for k in range(8):
                acc = acc + mask_v[0, pl.ds(i * 8 * _L + k * _L, _L)]
            return acc

        cp_a.wait()
        acc = lax.fori_loop(0, half // _L // 8, _sum_step,
                            jnp.zeros((_L,), jnp.int32))
        cp_b.wait()
        acc = lax.fori_loop(half // _L // 8, S // _L // 8, _sum_step, acc)
        sl = jnp.sum(acc) - 1

        slv_v[0] = jnp.full((_L,), jnp.maximum(sl, 0), jnp.int32)
        row_cp = pltpu.async_copy(hs_hbm.at[slv_v.at[0, pl.ds(0, 1)]],
                                  hs_v, sem)

        base_p = pl.multiple_of(lax.div(sl - 1, _W) * _W, _W)
        base_s = pl.multiple_of(lax.div(sl, _W) * _W, _W)
        prev_cp = pltpu.async_copy(ids_hbm.at[pl.ds(0, 1), pl.ds(base_p, _W)],
                                   ids_v.at[pl.ds(0, 1)], sem2)
        sel_cp = pltpu.async_copy(ids_hbm.at[pl.ds(0, 1), pl.ds(base_s, _W)],
                                  ids_v.at[pl.ds(1, 1)], sem3)
        prev_cp.wait()
        sel_cp.wait()
        rel_p = sl - 1 - base_p
        rel_s = sl - base_s
        sel_vec = ids_v[1, pl.ds(lax.div(rel_s, _L) * _L, _L)]
        prev_vec = ids_v[0, pl.ds(lax.div(rel_p, _L) * _L, _L)]
        one = jnp.ones((_L,), jnp.int32)
        zero = jnp.zeros((_L,), jnp.int32)
        sel_cnt = jnp.sum(jnp.where(
            (iota == lax.rem(rel_s, _L)) & (sel_vec == _EOS), one, zero))
        prev_cnt = jnp.sum(jnp.where(
            (iota == lax.rem(rel_p, _L)) & (prev_vec == _EOS), one, zero))
        valid = jnp.logical_and(sel_cnt == 1, prev_cnt == 0)

        row_cp.wait()

        @pl.when(jnp.logical_not(valid))
        def _():
            nan_vec = jnp.full((_L,), jnp.nan, jnp.float32)

            def _nan_step(j, _):
                hs_v[0, pl.ds(j * _L, _L)] = nan_vec
                return 0

            lax.fori_loop(0, hs_v.shape[1] // _L, _nan_step, 0)

        pltpu.sync_copy(hs_v, out_hbm)


def kernel(hidden_states, input_ids, attention_mask):
    B, S, D = hidden_states.shape
    assert B == 1 and S % (8 * _L) == 0 and D % _L == 0
    hs = hidden_states.reshape(S, D)

    call = pl.kernel(
        _pool_body,
        out_type=jax.ShapeDtypeStruct((1, D), jnp.float32),
        mesh=plsc.VectorSubcoreMesh(
            core_axis_name="c", subcore_axis_name="s",
            num_cores=1, num_subcores=1),
        scratch_types=[
            pltpu.VMEM((1, S), jnp.int32),
            pltpu.VMEM((2, _W), jnp.int32),
            pltpu.VMEM((1, _L), jnp.int32),
            pltpu.VMEM((1, D), jnp.float32),
            pltpu.SemaphoreType.DMA,
            pltpu.SemaphoreType.DMA,
            pltpu.SemaphoreType.DMA,
        ],
        compiler_params=pltpu.CompilerParams(
            needs_layout_passes=False, skip_device_barrier=True),
    )
    return call(hs, input_ids, attention_mask)

# --- scband reference (transcript-rebuilt; emitter-appended) ---
"""Pipeline reference for scband-last-token-pooling-30803505447204 (READ-ONLY COPY).

The authoritative reference and input builder live on the scoring server;
editing this copy changes nothing except your own understanding.
"""

import jax, jax.numpy as jnp
import numpy as np

EOS_TOKEN_ID = 8191


def setup_inputs(seed: int = 0) -> dict:
    key = jax.random.key(seed)
    B, S, D = 1, 8192, 4096
    hidden_states = jax.random.normal(key, (B, S, D), dtype=jnp.float32)
    # arange fill: with batch=1 the last token id equals S-1 == EOS_TOKEN_ID,
    # and the second-to-last equals S-2 != EOS, so the module's validation passes.
    input_ids = jnp.arange(B * S, dtype=jnp.int32).reshape(B, S)
    attention_mask = jnp.ones((B, S), dtype=jnp.int32)
    return {"hidden_states": hidden_states, "input_ids": input_ids, "attention_mask": attention_mask}


def reference(hidden_states, input_ids, attention_mask):
    # sequence_lengths = attention_mask.sum(-1) - 1
    sequence_lengths = jnp.sum(attention_mask, axis=-1) - 1
    rows = jnp.arange(hidden_states.shape[0])
    # gather the token ids used for eos validation (kept faithful to original forward)
    selected_tokens = input_ids[rows, sequence_lengths]
    prev_token = input_ids[rows, sequence_lengths - 1]
    valid = jnp.logical_and(
        jnp.all(selected_tokens == EOS_TOKEN_ID),
        jnp.logical_not(jnp.any(prev_token == EOS_TOKEN_ID)),
    )
    # gather last-token embeddings
    embs = hidden_states[rows, sequence_lengths]
    return jnp.where(valid, embs, jnp.full_like(embs, jnp.nan))

if __name__ == "__main__":
    import jax
    _d = setup_inputs()
    print(jax.jit(kernel)(*tuple(_d.values())))

</pallas_src>

<mosaic_0001>
#map = affine_map<(d0, d1) -> (0, 0)>
module attributes {stable_mosaic.version = 14 : i64} {
  func.func @_pool_body(%arg0: i32, %arg1: i32, %arg2: memref<8192x4096xf32, #tpu.memory_space<hbm>>, %arg3: memref<1x8192xi32, #tpu.memory_space<hbm>>, %arg4: memref<1x8192xi32, #tpu.memory_space<hbm>>, %arg5: memref<1x4096xf32, #tpu.memory_space<hbm>>, %arg6: memref<1x8192xi32, #tpu.memory_space<vmem>>, %arg7: memref<2x128xi32, #tpu.memory_space<vmem>>, %arg8: memref<1x16xi32, #tpu.memory_space<vmem>>, %arg9: memref<1x4096xf32, #tpu.memory_space<vmem>>, %arg10: memref<!tpu.dma_semaphore, #tpu.memory_space<semaphore_mem>>, %arg11: memref<!tpu.dma_semaphore, #tpu.memory_space<semaphore_mem>>, %arg12: memref<!tpu.dma_semaphore, #tpu.memory_space<semaphore_mem>>) attributes {dimension_semantics = [#tpu.dimension_semantics<core_parallel>, #tpu.dimension_semantics<subcore_parallel>], iteration_bounds = array<i64: 1, 1>, scalar_prefetch = 0 : i64, scratch_operands = 7 : i64, tpu.core_type = #tpu.core_type<sc_vector_subcore>, window_params = [{transform_indices = #map}, {transform_indices = #map}, {transform_indices = #map}, {transform_indices = #map}]} {
    %eq3A = arith.constant 0 : i32
    %eq3A_0 = arith.cmpi eq, %arg1, %eq3A : i32
    %convert_element_type3A = arith.extui %eq3A_0 : i1 to i32
    %cond3A = arith.constant 0 : i32
    %cond3A_1 = arith.cmpi ne, %convert_element_type3A, %cond3A : i32
    scf.if %cond3A_1 {
      %iota3A = tpu.iota {dimensions = array<i32: 0>} : vector<16xi32>
      %dma_start3A = arith.constant 0 : i32
      %dma_start3A_2 = arith.constant 0 : i32
      %dma_start3A_3 = tpu.memref_slice %arg6[%dma_start3A, %dma_start3A_2] : memref<1x8192xi32, #tpu.memory_space<vmem>> -> memref<1x4096xi32, #tpu.memory_space<vmem>>
      %dma_start3A_4 = arith.constant 0 : i32
      %dma_start3A_5 = arith.constant 0 : i32
      %dma_start3A_6 = tpu.memref_slice %arg4[%dma_start3A_4, %dma_start3A_5] : memref<1x8192xi32, #tpu.memory_space<hbm>> -> memref<1x4096xi32, #tpu.memory_space<hbm>>
      %dma_start3A_7 = arith.constant 0 : i32
      %dma_start3A_8 = arith.constant 0 : i32
      %dma_start3A_9 = tpu.memref_slice %arg6[%dma_start3A_7, %dma_start3A_8] : memref<1x8192xi32, #tpu.memory_space<vmem>> -> memref<1x4096xi32, #tpu.memory_space<vmem>>
      %dma_start3A_10 = arith.constant 0 : i32
      %dma_start3A_11 = arith.constant 0 : i32
      %dma_start3A_12 = tpu.memref_slice %arg4[%dma_start3A_10, %dma_start3A_11] : memref<1x8192xi32, #tpu.memory_space<hbm>> -> memref<1x4096xi32, #tpu.memory_space<hbm>>
      tpu.enqueue_dma source(%dma_start3A_12 : memref<1x4096xi32, #tpu.memory_space<hbm>>) target(%dma_start3A_9 : memref<1x4096xi32, #tpu.memory_space<vmem>>) target_semaphore(%arg11 : memref<!tpu.dma_semaphore, #tpu.memory_space<semaphore_mem>>)
      %dma_start3A_13 = arith.constant 0 : i32
      %dma_start3A_14 = arith.constant 4096 : i32
      %dma_start3A_15 = tpu.memref_slice %arg6[%dma_start3A_13, %dma_start3A_14] : memref<1x8192xi32, #tpu.memory_space<vmem>> -> memref<1x4096xi32, #tpu.memory_space<vmem>>
      %dma_start3A_16 = arith.constant 0 : i32
      %dma_start3A_17 = arith.constant 4096 : i32
      %dma_start3A_18 = tpu.memref_slice %arg4[%dma_start3A_16, %dma_start3A_17] : memref<1x8192xi32, #tpu.memory_space<hbm>> -> memref<1x4096xi32, #tpu.memory_space<hbm>>
      %dma_start3A_19 = arith.constant 0 : i32
      %dma_start3A_20 = arith.constant 4096 : i32
      %dma_start3A_21 = tpu.memref_slice %arg6[%dma_start3A_19, %dma_start3A_20] : memref<1x8192xi32, #tpu.memory_space<vmem>> -> memref<1x4096xi32, #tpu.memory_space<vmem>>
      %dma_start3A_22 = arith.constant 0 : i32
      %dma_start3A_23 = arith.constant 4096 : i32
      %dma_start3A_24 = tpu.memref_slice %arg4[%dma_start3A_22, %dma_start3A_23] : memref<1x8192xi32, #tpu.memory_space<hbm>> -> memref<1x4096xi32, #tpu.memory_space<hbm>>
      tpu.enqueue_dma source(%dma_start3A_24 : memref<1x4096xi32, #tpu.memory_space<hbm>>) target(%dma_start3A_21 : memref<1x4096xi32, #tpu.memory_space<vmem>>) target_semaphore(%arg12 : memref<!tpu.dma_semaphore, #tpu.memory_space<semaphore_mem>>)
      %dma_wait3A = arith.constant 0 : i32
      %dma_wait3A_25 = arith.constant 0 : i32
      %dma_wait3A_26 = tpu.memref_slice %arg6[%dma_wait3A, %dma_wait3A_25] : memref<1x8192xi32, #tpu.memory_space<vmem>> -> memref<1x4096xi32, #tpu.memory_space<vmem>>
      %dma_wait3A_27 = arith.constant 0 : i32
      %dma_wait3A_28 = arith.constant 0 : i32
      %dma_wait3A_29 = tpu.memref_slice %arg4[%dma_wait3A_27, %dma_wait3A_28] : memref<1x8192xi32, #tpu.memory_space<hbm>> -> memref<1x4096xi32, #tpu.memory_space<hbm>>
      %dma_wait3A_30 = arith.constant 0 : i32
      %dma_wait3A_31 = arith.constant 0 : i32
      %dma_wait3A_32 = tpu.memref_slice %arg6[%dma_wait3A_30, %dma_wait3A_31] : memref<1x8192xi32, #tpu.memory_space<vmem>> -> memref<1x4096xi32, #tpu.memory_space<vmem>>
      %dma_wait3A_33 = arith.constant 0 : i32
      %dma_wait3A_34 = arith.constant 0 : i32
      %dma_wait3A_35 = tpu.memref_slice %arg4[%dma_wait3A_33, %dma_wait3A_34] : memref<1x8192xi32, #tpu.memory_space<hbm>> -> memref<1x4096xi32, #tpu.memory_space<hbm>>
      tpu.wait_dma2 semaphore(%arg11 : memref<!tpu.dma_semaphore, #tpu.memory_space<semaphore_mem>>) src(%dma_wait3A_35 : memref<1x4096xi32, #tpu.memory_space<hbm>>) dst(%dma_wait3A_32 : memref<1x4096xi32, #tpu.memory_space<vmem>>)
      %broadcast_in_dim3A = arith.constant 0 : i32
      %broadcast_in_dim3A_36 = vector.broadcast %broadcast_in_dim3A : i32 to vector<16xi32>
      %scan3A = arith.constant 0 : i32
      %scan3A_37 = arith.constant 32 : i32
      %scan3A_38 = arith.addi %scan3A, %scan3A_37 : i32
      %scan3A_39 = arith.constant 1 : i32
      %scan3A_40 = scf.for %scan3A_187 = %scan3A to %scan3A_38 step %scan3A_39 iter_args(%scan3A_188 = %broadcast_in_dim3A_36) -> (vector<16xi32>)  : i32 {
        %mul3A_189 = arith.constant 8 : i32
        %mul3A_190 = arith.muli %scan3A_187, %mul3A_189 : i32
        %mul3A_191 = arith.constant 16 : i32
        %mul3A_192 = arith.muli %mul3A_190, %mul3A_191 : i32
        %add3A = arith.constant 0 : i32
        %add3A_193 = arith.addi %mul3A_192, %add3A : i32
        %get3A_194 = arith.constant 0 : i32
        %get3A_195 = arith.index_cast %get3A_194 : i32 to index
        %get3A_196 = arith.index_cast %add3A_193 : i32 to index
        %get3A_197 = tpu.vector_load %arg6[%get3A_195, %get3A_196] {strides = array<i32>} : memref<1x8192xi32, #tpu.memory_space<vmem>>, vector<16xi32>,
        %add3A_198 = arith.addi %scan3A_188, %get3A_197 : vector<16xi32>
        %mul3A_199 = arith.constant 8 : i32
        %mul3A_200 = arith.muli %scan3A_187, %mul3A_199 : i32
        %mul3A_201 = arith.constant 16 : i32
        %mul3A_202 = arith.muli %mul3A_200, %mul3A_201 : i32
        %add3A_203 = arith.constant 16 : i32
        %add3A_204 = arith.addi %mul3A_202, %add3A_203 : i32
        %get3A_205 = arith.constant 0 : i32
        %get3A_206 = arith.index_cast %get3A_205 : i32 to index
        %get3A_207 = arith.index_cast %add3A_204 : i32 to index
        %get3A_208 = tpu.vector_load %arg6[%get3A_206, %get3A_207] {strides = array<i32>} : memref<1x8192xi32, #tpu.memory_space<vmem>>, vector<16xi32>,
        %add3A_209 = arith.addi %add3A_198, %get3A_208 : vector<16xi32>
        %mul3A_210 = arith.constant 8 : i32
        %mul3A_211 = arith.muli %scan3A_187, %mul3A_210 : i32
        %mul3A_212 = arith.constant 16 : i32
        %mul3A_213 = arith.muli %mul3A_211, %mul3A_212 : i32
        %add3A_214 = arith.constant 32 : i32
        %add3A_215 = arith.addi %mul3A_213, %add3A_214 : i32
        %get3A_216 = arith.constant 0 : i32
        %get3A_217 = arith.index_cast %get3A_216 : i32 to index
        %get3A_218 = arith.index_cast %add3A_215 : i32 to index
        %get3A_219 = tpu.vector_load %arg6[%get3A_217, %get3A_218] {strides = array<i32>} : memref<1x8192xi32, #tpu.memory_space<vmem>>, vector<16xi32>,
        %add3A_220 = arith.addi %add3A_209, %get3A_219 : vector<16xi32>
        %mul3A_221 = arith.constant 8 : i32
        %mul3A_222 = arith.muli %scan3A_187, %mul3A_221 : i32
        %mul3A_223 = arith.constant 16 : i32
        %mul3A_224 = arith.muli %mul3A_222, %mul3A_223 : i32
        %add3A_225 = arith.constant 48 : i32
        %add3A_226 = arith.addi %mul3A_224, %add3A_225 : i32
        %get3A_227 = arith.constant 0 : i32
        %get3A_228 = arith.index_cast %get3A_227 : i32 to index
        %get3A_229 = arith.index_cast %add3A_226 : i32 to index
        %get3A_230 = tpu.vector_load %arg6[%get3A_228, %get3A_229] {strides = array<i32>} : memref<1x8192xi32, #tpu.memory_space<vmem>>, vector<16xi32>,
        %add3A_231 = arith.addi %add3A_220, %get3A_230 : vector<16xi32>
        %mul3A_232 = arith.constant 8 : i32
        %mul3A_233 = arith.muli %scan3A_187, %mul3A_232 : i32
        %mul3A_234 = arith.constant 16 : i32
        %mul3A_235 = arith.muli %mul3A_233, %mul3A_234 : i32
        %add3A_236 = arith.constant 64 : i32
        %add3A_237 = arith.addi %mul3A_235, %add3A_236 : i32
        %get3A_238 = arith.constant 0 : i32
        %get3A_239 = arith.index_cast %get3A_238 : i32 to index
        %get3A_240 = arith.index_cast %add3A_237 : i32 to index
        %get3A_241 = tpu.vector_load %arg6[%get3A_239, %get3A_240] {strides = array<i32>} : memref<1x8192xi32, #tpu.memory_space<vmem>>, vector<16xi32>,
        %add3A_242 = arith.addi %add3A_231, %get3A_241 : vector<16xi32>
        %mul3A_243 = arith.constant 8 : i32
        %mul3A_244 = arith.muli %scan3A_187, %mul3A_243 : i32
        %mul3A_245 = arith.constant 16 : i32
        %mul3A_246 = arith.muli %mul3A_244, %mul3A_245 : i32
        %add3A_247 = arith.constant 80 : i32
        %add3A_248 = arith.addi %mul3A_246, %add3A_247 : i32
        %get3A_249 = arith.constant 0 : i32
        %get3A_250 = arith.index_cast %get3A_249 : i32 to index
        %get3A_251 = arith.index_cast %add3A_248 : i32 to index
        %get3A_252 = tpu.vector_load %arg6[%get3A_250, %get3A_251] {strides = array<i32>} : memref<1x8192xi32, #tpu.memory_space<vmem>>, vector<16xi32>,
        %add3A_253 = arith.addi %add3A_242, %get3A_252 : vector<16xi32>
        %mul3A_254 = arith.constant 8 : i32
        %mul3A_255 = arith.muli %scan3A_187, %mul3A_254 : i32
        %mul3A_256 = arith.constant 16 : i32
        %mul3A_257 = arith.muli %mul3A_255, %mul3A_256 : i32
        %add3A_258 = arith.constant 96 : i32
        %add3A_259 = arith.addi %mul3A_257, %add3A_258 : i32
        %get3A_260 = arith.constant 0 : i32
        %get3A_261 = arith.index_cast %get3A_260 : i32 to index
        %get3A_262 = arith.index_cast %add3A_259 : i32 to index
        %get3A_263 = tpu.vector_load %arg6[%get3A_261, %get3A_262] {strides = array<i32>} : memref<1x8192xi32, #tpu.memory_space<vmem>>, vector<16xi32>,
        %add3A_264 = arith.addi %add3A_253, %get3A_263 : vector<16xi32>
        %mul3A_265 = arith.constant 8 : i32
        %mul3A_266 = arith.muli %scan3A_187, %mul3A_265 : i32
        %mul3A_267 = arith.constant 16 : i32
        %mul3A_268 = arith.muli %mul3A_266, %mul3A_267 : i32
        %add3A_269 = arith.constant 112 : i32
        %add3A_270 = arith.addi %mul3A_268, %add3A_269 : i32
        %get3A_271 = arith.constant 0 : i32
        %get3A_272 = arith.index_cast %get3A_271 : i32 to index
        %get3A_273 = arith.index_cast %add3A_270 : i32 to index
        %get3A_274 = tpu.vector_load %arg6[%get3A_272, %get3A_273] {strides = array<i32>} : memref<1x8192xi32, #tpu.memory_space<vmem>>, vector<16xi32>,
        %add3A_275 = arith.addi %add3A_264, %get3A_274 : vector<16xi32>
        scf.yield %add3A_275 : vector<16xi32>
      }
      %scan3A_41 = arith.constant 32 : i32
      %dma_wait3A_42 = arith.constant 0 : i32
      %dma_wait3A_43 = arith.constant 4096 : i32
      %dma_wait3A_44 = tpu.memref_slice %arg6[%dma_wait3A_42, %dma_wait3A_43] : memref<1x8192xi32, #tpu.memory_space<vmem>> -> memref<1x4096xi32, #tpu.memory_space<vmem>>
      %dma_wait3A_45 = arith.constant 0 : i32
      %dma_wait3A_46 = arith.constant 4096 : i32
      %dma_wait3A_47 = tpu.memref_slice %arg4[%dma_wait3A_45, %dma_wait3A_46] : memref<1x8192xi32, #tpu.memory_space<hbm>> -> memref<1x4096xi32, #tpu.memory_space<hbm>>
      %dma_wait3A_48 = arith.constant 0 : i32
      %dma_wait3A_49 = arith.constant 4096 : i32
      %dma_wait3A_50 = tpu.memref_slice %arg6[%dma_wait3A_48, %dma_wait3A_49] : memref<1x8192xi32, #tpu.memory_space<vmem>> -> memref<1x4096xi32, #tpu.memory_space<vmem>>
      %dma_wait3A_51 = arith.constant 0 : i32
      %dma_wait3A_52 = arith.constant 4096 : i32
      %dma_wait3A_53 = tpu.memref_slice %arg4[%dma_wait3A_51, %dma_wait3A_52] : memref<1x8192xi32, #tpu.memory_space<hbm>> -> memref<1x4096xi32, #tpu.memory_space<hbm>>
      tpu.wait_dma2 semaphore(%arg12 : memref<!tpu.dma_semaphore, #tpu.memory_space<semaphore_mem>>) src(%dma_wait3A_53 : memref<1x4096xi32, #tpu.memory_space<hbm>>) dst(%dma_wait3A_50 : memref<1x4096xi32, #tpu.memory_space<vmem>>)
      %scan3A_54 = arith.constant 32 : i32
      %scan3A_55 = arith.constant 32 : i32
      %scan3A_56 = arith.addi %scan3A_54, %scan3A_55 : i32
      %scan3A_57 = arith.constant 1 : i32
      %scan3A_58 = scf.for %scan3A_187 = %scan3A_54 to %scan3A_56 step %scan3A_57 iter_args(%scan3A_188 = %scan3A_40) -> (vector<16xi32>)  : i32 {
        %mul3A_189 = arith.constant 8 : i32
        %mul3A_190 = arith.muli %scan3A_187, %mul3A_189 : i32
        %mul3A_191 = arith.constant 16 : i32
        %mul3A_192 = arith.muli %mul3A_190, %mul3A_191 : i32
        %add3A = arith.constant 0 : i32
        %add3A_193 = arith.addi %mul3A_192, %add3A : i32
        %get3A_194 = arith.constant 0 : i32
        %get3A_195 = arith.index_cast %get3A_194 : i32 to index
        %get3A_196 = arith.index_cast %add3A_193 : i32 to index
        %get3A_197 = tpu.vector_load %arg6[%get3A_195, %get3A_196] {strides = array<i32>} : memref<1x8192xi32, #tpu.memory_space<vmem>>, vector<16xi32>,
        %add3A_198 = arith.addi %scan3A_188, %get3A_197 : vector<16xi32>
        %mul3A_199 = arith.constant 8 : i32
        %mul3A_200 = arith.muli %scan3A_187, %mul3A_199 : i32
        %mul3A_201 = arith.constant 16 : i32
        %mul3A_202 = arith.muli %mul3A_200, %mul3A_201 : i32
        %add3A_203 = arith.constant 16 : i32
        %add3A_204 = arith.addi %mul3A_202, %add3A_203 : i32
        %get3A_205 = arith.constant 0 : i32
        %get3A_206 = arith.index_cast %get3A_205 : i32 to index
        %get3A_207 = arith.index_cast %add3A_204 : i32 to index
        %get3A_208 = tpu.vector_load %arg6[%get3A_206, %get3A_207] {strides = array<i32>} : memref<1x8192xi32, #tpu.memory_space<vmem>>, vector<16xi32>,
        %add3A_209 = arith.addi %add3A_198, %get3A_208 : vector<16xi32>
        %mul3A_210 = arith.constant 8 : i32
        %mul3A_211 = arith.muli %scan3A_187, %mul3A_210 : i32
        %mul3A_212 = arith.constant 16 : i32
        %mul3A_213 = arith.muli %mul3A_211, %mul3A_212 : i32
        %add3A_214 = arith.constant 32 : i32
        %add3A_215 = arith.addi %mul3A_213, %add3A_214 : i32
        %get3A_216 = arith.constant 0 : i32
        %get3A_217 = arith.index_cast %get3A_216 : i32 to index
        %get3A_218 = arith.index_cast %add3A_215 : i32 to index
        %get3A_219 = tpu.vector_load %arg6[%get3A_217, %get3A_218] {strides = array<i32>} : memref<1x8192xi32, #tpu.memory_space<vmem>>, vector<16xi32>,
        %add3A_220 = arith.addi %add3A_209, %get3A_219 : vector<16xi32>
        %mul3A_221 = arith.constant 8 : i32
        %mul3A_222 = arith.muli %scan3A_187, %mul3A_221 : i32
        %mul3A_223 = arith.constant 16 : i32
        %mul3A_224 = arith.muli %mul3A_222, %mul3A_223 : i32
        %add3A_225 = arith.constant 48 : i32
        %add3A_226 = arith.addi %mul3A_224, %add3A_225 : i32
        %get3A_227 = arith.constant 0 : i32
        %get3A_228 = arith.index_cast %get3A_227 : i32 to index
        %get3A_229 = arith.index_cast %add3A_226 : i32 to index
        %get3A_230 = tpu.vector_load %arg6[%get3A_228, %get3A_229] {strides = array<i32>} : memref<1x8192xi32, #tpu.memory_space<vmem>>, vector<16xi32>,
        %add3A_231 = arith.addi %add3A_220, %get3A_230 : vector<16xi32>
        %mul3A_232 = arith.constant 8 : i32
        %mul3A_233 = arith.muli %scan3A_187, %mul3A_232 : i32
        %mul3A_234 = arith.constant 16 : i32
        %mul3A_235 = arith.muli %mul3A_233, %mul3A_234 : i32
        %add3A_236 = arith.constant 64 : i32
        %add3A_237 = arith.addi %mul3A_235, %add3A_236 : i32
        %get3A_238 = arith.constant 0 : i32
        %get3A_239 = arith.index_cast %get3A_238 : i32 to index
        %get3A_240 = arith.index_cast %add3A_237 : i32 to index
        %get3A_241 = tpu.vector_load %arg6[%get3A_239, %get3A_240] {strides = array<i32>} : memref<1x8192xi32, #tpu.memory_space<vmem>>, vector<16xi32>,
        %add3A_242 = arith.addi %add3A_231, %get3A_241 : vector<16xi32>
        %mul3A_243 = arith.constant 8 : i32
        %mul3A_244 = arith.muli %scan3A_187, %mul3A_243 : i32
        %mul3A_245 = arith.constant 16 : i32
        %mul3A_246 = arith.muli %mul3A_244, %mul3A_245 : i32
        %add3A_247 = arith.constant 80 : i32
        %add3A_248 = arith.addi %mul3A_246, %add3A_247 : i32
        %get3A_249 = arith.constant 0 : i32
        %get3A_250 = arith.index_cast %get3A_249 : i32 to index
        %get3A_251 = arith.index_cast %add3A_248 : i32 to index
        %get3A_252 = tpu.vector_load %arg6[%get3A_250, %get3A_251] {strides = array<i32>} : memref<1x8192xi32, #tpu.memory_space<vmem>>, vector<16xi32>,
        %add3A_253 = arith.addi %add3A_242, %get3A_252 : vector<16xi32>
        %mul3A_254 = arith.constant 8 : i32
        %mul3A_255 = arith.muli %scan3A_187, %mul3A_254 : i32
        %mul3A_256 = arith.constant 16 : i32
        %mul3A_257 = arith.muli %mul3A_255, %mul3A_256 : i32
        %add3A_258 = arith.constant 96 : i32
        %add3A_259 = arith.addi %mul3A_257, %add3A_258 : i32
        %get3A_260 = arith.constant 0 : i32
        %get3A_261 = arith.index_cast %get3A_260 : i32 to index
        %get3A_262 = arith.index_cast %add3A_259 : i32 to index
        %get3A_263 = tpu.vector_load %arg6[%get3A_261, %get3A_262] {strides = array<i32>} : memref<1x8192xi32, #tpu.memory_space<vmem>>, vector<16xi32>,
        %add3A_264 = arith.addi %add3A_253, %get3A_263 : vector<16xi32>
        %mul3A_265 = arith.constant 8 : i32
        %mul3A_266 = arith.muli %scan3A_187, %mul3A_265 : i32
        %mul3A_267 = arith.constant 16 : i32
        %mul3A_268 = arith.muli %mul3A_266, %mul3A_267 : i32
        %add3A_269 = arith.constant 112 : i32
        %add3A_270 = arith.addi %mul3A_268, %add3A_269 : i32
        %get3A_271 = arith.constant 0 : i32
        %get3A_272 = arith.index_cast %get3A_271 : i32 to index
        %get3A_273 = arith.index_cast %add3A_270 : i32 to index
        %get3A_274 = tpu.vector_load %arg6[%get3A_272, %get3A_273] {strides = array<i32>} : memref<1x8192xi32, #tpu.memory_space<vmem>>, vector<16xi32>,
        %add3A_275 = arith.addi %add3A_264, %get3A_274 : vector<16xi32>
        scf.yield %add3A_275 : vector<16xi32>
      }
      %scan3A_59 = arith.constant 32 : i32
      %reduce_sum3A = arith.constant true
      %reduce_sum3A_60 = vector.broadcast %reduce_sum3A : i1 to vector<16xi1>
      %reduce_sum3A_61 = tpu.scan <sum>, %scan3A_58 masked %reduce_sum3A_60 : vector<16xi32>, vector<16xi1> -> vector<16xi32>
      %reduce_sum3A_62 = vector.extract %reduce_sum3A_61[15] : i32 from vector<16xi32>
      %sub3A = arith.constant 1 : i32
      %sub3A_63 = arith.subi %reduce_sum3A_62, %sub3A : i32
      %max3A = arith.constant 0 : i32
      %max3A_64 = arith.maxsi %sub3A_63, %max3A : i32
      %broadcast_in_dim3A_65 = vector.broadcast %max3A_64 : i32 to vector<16xi32>
      %swap3A = arith.constant 0 : i32
      %swap3A_66 = arith.index_cast %swap3A : i32 to index
      %swap3A_67 = arith.constant 0 : index
      %swap3A_68 = tpu.vector_load %arg8[%swap3A_66, %swap3A_67] {strides = array<i32>} : memref<1x16xi32, #tpu.memory_space<vmem>>, vector<16xi32>,
      tpu.vector_store %arg8[%swap3A_66, %swap3A_67], %broadcast_in_dim3A_65 {strides = array<i32>} : memref<1x16xi32, #tpu.memory_space<vmem>>, vector<16xi32>,
      %dma_start3A_69 = arith.constant 0 : i32
      %dma_start3A_70 = arith.constant 0 : i32
      %dma_start3A_71 = tpu.memref_slice %arg8[%dma_start3A_69, %dma_start3A_70] : memref<1x16xi32, #tpu.memory_space<vmem>> -> memref<1x1xi32, #tpu.memory_space<vmem>>
      %dma_start3A_72 = tpu.memref_squeeze %dma_start3A_71 : memref<1x1xi32, #tpu.memory_space<vmem>> -> memref<1xi32, #tpu.memory_space<vmem>>
      %dma_start3A_73 = arith.constant 0 : i32
      %dma_start3A_74 = arith.constant 0 : i32
      %dma_start3A_75 = tpu.memref_slice %arg2[%dma_start3A_73, %dma_start3A_74] : memref<8192x4096xf32, #tpu.memory_space<hbm>> -> memref<8192x4096xf32, #tpu.memory_space<hbm>>
      tpu.enqueue_indirect_dma source(%dma_start3A_75 : memref<8192x4096xf32, #tpu.memory_space<hbm>>) target(%arg9 : memref<1x4096xf32, #tpu.memory_space<vmem>>) offsets(%dma_start3A_72 : memref<1xi32, #tpu.memory_space<vmem>>) semaphore(%arg10 : memref<!tpu.dma_semaphore, #tpu.memory_space<semaphore_mem>>)
      %sub3A_76 = arith.constant 1 : i32
      %sub3A_77 = arith.subi %sub3A_63, %sub3A_76 : i32
      %div3A = arith.constant 128 : i32
      %div3A_78 = arith.divsi %sub3A_77, %div3A : i32
      %mul3A = arith.constant 128 : i32
      %mul3A_79 = arith.muli %div3A_78, %mul3A : i32
      %multiple_of3A = tpu.assume_multiple %mul3A_79, 128 : i32
      %div3A_80 = arith.constant 128 : i32
      %div3A_81 = arith.divsi %sub3A_63, %div3A_80 : i32
      %mul3A_82 = arith.constant 128 : i32
      %mul3A_83 = arith.muli %div3A_81, %mul3A_82 : i32
      %multiple_of3A_84 = tpu.assume_multiple %mul3A_83, 128 : i32
      %dma_start3A_85 = arith.constant 0 : i32
      %dma_start3A_86 = arith.constant 0 : i32
      %dma_start3A_87 = tpu.memref_slice %arg7[%dma_start3A_85, %dma_start3A_86] : memref<2x128xi32, #tpu.memory_space<vmem>> -> memref<1x128xi32, #tpu.memory_space<vmem>>
      %dma_start3A_88 = arith.constant 0 : i32
      %dma_start3A_89 = tpu.memref_slice %arg3[%dma_start3A_88, %multiple_of3A] : memref<1x8192xi32, #tpu.memory_space<hbm>> -> memref<1x128xi32, #tpu.memory_space<hbm>>
      %dma_start3A_90 = arith.constant 0 : i32
      %dma_start3A_91 = arith.constant 0 : i32
      %dma_start3A_92 = tpu.memref_slice %arg7[%dma_start3A_90, %dma_start3A_91] : memref<2x128xi32, #tpu.memory_space<vmem>> -> memref<1x128xi32, #tpu.memory_space<vmem>>
      %dma_start3A_93 = arith.constant 0 : i32
      %dma_start3A_94 = tpu.memref_slice %arg3[%dma_start3A_93, %multiple_of3A] : memref<1x8192xi32, #tpu.memory_space<hbm>> -> memref<1x128xi32, #tpu.memory_space<hbm>>
      tpu.enqueue_dma source(%dma_start3A_94 : memref<1x128xi32, #tpu.memory_space<hbm>>) target(%dma_start3A_92 : memref<1x128xi32, #tpu.memory_space<vmem>>) target_semaphore(%arg11 : memref<!tpu.dma_semaphore, #tpu.memory_space<semaphore_mem>>)
      %dma_start3A_95 = arith.constant 1 : i32
      %dma_start3A_96 = arith.constant 0 : i32
      %dma_start3A_97 = tpu.memref_slice %arg7[%dma_start3A_95, %dma_start3A_96] : memref<2x128xi32, #tpu.memory_space<vmem>> -> memref<1x128xi32, #tpu.memory_space<vmem>>
      %dma_start3A_98 = arith.constant 0 : i32
      %dma_start3A_99 = tpu.memref_slice %arg3[%dma_start3A_98, %multiple_of3A_84] : memref<1x8192xi32, #tpu.memory_space<hbm>> -> memref<1x128xi32, #tpu.memory_space<hbm>>
      %dma_start3A_100 = arith.constant 1 : i32
      %dma_start3A_101 = arith.constant 0 : i32
      %dma_start3A_102 = tpu.memref_slice %arg7[%dma_start3A_100, %dma_start3A_101] : memref<2x128xi32, #tpu.memory_space<vmem>> -> memref<1x128xi32, #tpu.memory_space<vmem>>
      %dma_start3A_103 = arith.constant 0 : i32
      %dma_start3A_104 = tpu.memref_slice %arg3[%dma_start3A_103, %multiple_of3A_84] : memref<1x8192xi32, #tpu.memory_space<hbm>> -> memref<1x128xi32, #tpu.memory_space<hbm>>
      tpu.enqueue_dma source(%dma_start3A_104 : memref<1x128xi32, #tpu.memory_space<hbm>>) target(%dma_start3A_102 : memref<1x128xi32, #tpu.memory_space<vmem>>) target_semaphore(%arg12 : memref<!tpu.dma_semaphore, #tpu.memory_space<semaphore_mem>>)
      %dma_wait3A_105 = arith.constant 0 : i32
      %dma_wait3A_106 = arith.constant 0 : i32
      %dma_wait3A_107 = tpu.memref_slice %arg7[%dma_wait3A_105, %dma_wait3A_106] : memref<2x128xi32, #tpu.memory_space<vmem>> -> memref<1x128xi32, #tpu.memory_space<vmem>>
      %dma_wait3A_108 = arith.constant 0 : i32
      %dma_wait3A_109 = tpu.memref_slice %arg3[%dma_wait3A_108, %multiple_of3A] : memref<1x8192xi32, #tpu.memory_space<hbm>> -> memref<1x128xi32, #tpu.memory_space<hbm>>
      %dma_wait3A_110 = arith.constant 0 : i32
      %dma_wait3A_111 = arith.constant 0 : i32
      %dma_wait3A_112 = tpu.memref_slice %arg7[%dma_wait3A_110, %dma_wait3A_111] : memref<2x128xi32, #tpu.memory_space<vmem>> -> memref<1x128xi32, #tpu.memory_space<vmem>>
      %dma_wait3A_113 = arith.constant 0 : i32
      %dma_wait3A_114 = tpu.memref_slice %arg3[%dma_wait3A_113, %multiple_of3A] : memref<1x8192xi32, #tpu.memory_space<hbm>> -> memref<1x128xi32, #tpu.memory_space<hbm>>
      tpu.wait_dma2 semaphore(%arg11 : memref<!tpu.dma_semaphore, #tpu.memory_space<semaphore_mem>>) src(%dma_wait3A_114 : memref<1x128xi32, #tpu.memory_space<hbm>>) dst(%dma_wait3A_112 : memref<1x128xi32, #tpu.memory_space<vmem>>)
      %dma_wait3A_115 = arith.constant 1 : i32
      %dma_wait3A_116 = arith.constant 0 : i32
      %dma_wait3A_117 = tpu.memref_slice %arg7[%dma_wait3A_115, %dma_wait3A_116] : memref<2x128xi32, #tpu.memory_space<vmem>> -> memref<1x128xi32, #tpu.memory_space<vmem>>
      %dma_wait3A_118 = arith.constant 0 : i32
      %dma_wait3A_119 = tpu.memref_slice %arg3[%dma_wait3A_118, %multiple_of3A_84] : memref<1x8192xi32, #tpu.memory_space<hbm>> -> memref<1x128xi32, #tpu.memory_space<hbm>>
      %dma_wait3A_120 = arith.constant 1 : i32
      %dma_wait3A_121 = arith.constant 0 : i32
      %dma_wait3A_122 = tpu.memref_slice %arg7[%dma_wait3A_120, %dma_wait3A_121] : memref<2x128xi32, #tpu.memory_space<vmem>> -> memref<1x128xi32, #tpu.memory_space<vmem>>
      %dma_wait3A_123 = arith.constant 0 : i32
      %dma_wait3A_124 = tpu.memref_slice %arg3[%dma_wait3A_123, %multiple_of3A_84] : memref<1x8192xi32, #tpu.memory_space<hbm>> -> memref<1x128xi32, #tpu.memory_space<hbm>>
      tpu.wait_dma2 semaphore(%arg12 : memref<!tpu.dma_semaphore, #tpu.memory_space<semaphore_mem>>) src(%dma_wait3A_124 : memref<1x128xi32, #tpu.memory_space<hbm>>) dst(%dma_wait3A_122 : memref<1x128xi32, #tpu.memory_space<vmem>>)
      %sub3A_125 = arith.constant 1 : i32
      %sub3A_126 = arith.subi %sub3A_63, %sub3A_125 : i32
      %sub3A_127 = arith.subi %sub3A_126, %multiple_of3A : i32
      %sub3A_128 = arith.subi %sub3A_63, %multiple_of3A_84 : i32
      %div3A_129 = arith.constant 16 : i32
      %div3A_130 = arith.divsi %sub3A_128, %div3A_129 : i32
      %mul3A_131 = arith.constant 16 : i32
      %mul3A_132 = arith.muli %div3A_130, %mul3A_131 : i32
      %get3A = arith.constant 1 : i32
      %get3A_133 = arith.index_cast %get3A : i32 to index
      %get3A_134 = arith.index_cast %mul3A_132 : i32 to index
      %get3A_135 = tpu.vector_load %arg7[%get3A_133, %get3A_134] {strides = array<i32>} : memref<2x128xi32, #tpu.memory_space<vmem>>, vector<16xi32>,
      %div3A_136 = arith.constant 16 : i32
      %div3A_137 = arith.divsi %sub3A_127, %div3A_136 : i32
      %mul3A_138 = arith.constant 16 : i32
      %mul3A_139 = arith.muli %div3A_137, %mul3A_138 : i32
      %get3A_140 = arith.constant 0 : i32
      %get3A_141 = arith.index_cast %get3A_140 : i32 to index
      %get3A_142 = arith.index_cast %mul3A_139 : i32 to index
      %get3A_143 = tpu.vector_load %arg7[%get3A_141, %get3A_142] {strides = array<i32>} : memref<2x128xi32, #tpu.memory_space<vmem>>, vector<16xi32>,
      %broadcast_in_dim3A_144 = arith.constant 1 : i32
      %broadcast_in_dim3A_145 = vector.broadcast %broadcast_in_dim3A_144 : i32 to vector<16xi32>
      %broadcast_in_dim3A_146 = arith.constant 0 : i32
      %broadcast_in_dim3A_147 = vector.broadcast %broadcast_in_dim3A_146 : i32 to vector<16xi32>
      %rem3A = arith.constant 16 : i32
      %rem3A_148 = arith.remsi %sub3A_128, %rem3A : i32
      %eq3A_149 = vector.broadcast %rem3A_148 : i32 to vector<16xi32>
      %eq3A_150 = arith.cmpi eq, %iota3A, %eq3A_149 : vector<16xi32>
      %eq3A_151 = arith.constant 8191 : i32
      %eq3A_152 = vector.broadcast %eq3A_151 : i32 to vector<16xi32>
      %eq3A_153 = arith.cmpi eq, %get3A_135, %eq3A_152 : vector<16xi32>
      %and3A = arith.andi %eq3A_150, %eq3A_153 : vector<16xi1>
      %select_n3A = arith.select %and3A, %broadcast_in_dim3A_145, %broadcast_in_dim3A_147 : vector<16xi1>, vector<16xi32>
      %reduce_sum3A_154 = arith.constant true
      %reduce_sum3A_155 = vector.broadcast %reduce_sum3A_154 : i1 to vector<16xi1>
      %reduce_sum3A_156 = tpu.scan <sum>, %select_n3A masked %reduce_sum3A_155 : vector<16xi32>, vector<16xi1> -> vector<16xi32>
      %reduce_sum3A_157 = vector.extract %reduce_sum3A_156[15] : i32 from vector<16xi32>
      %rem3A_158 = arith.constant 16 : i32
      %rem3A_159 = arith.remsi %sub3A_127, %rem3A_158 : i32
      %eq3A_160 = vector.broadcast %rem3A_159 : i32 to vector<16xi32>
      %eq3A_161 = arith.cmpi eq, %iota3A, %eq3A_160 : vector<16xi32>
      %eq3A_162 = arith.constant 8191 : i32
      %eq3A_163 = vector.broadcast %eq3A_162 : i32 to vector<16xi32>
      %eq3A_164 = arith.cmpi eq, %get3A_143, %eq3A_163 : vector<16xi32>
      %and3A_165 = arith.andi %eq3A_161, %eq3A_164 : vector<16xi1>
      %select_n3A_166 = arith.select %and3A_165, %broadcast_in_dim3A_145, %broadcast_in_dim3A_147 : vector<16xi1>, vector<16xi32>
      %reduce_sum3A_167 = arith.constant true
      %reduce_sum3A_168 = vector.broadcast %reduce_sum3A_167 : i1 to vector<16xi1>
      %reduce_sum3A_169 = tpu.scan <sum>, %select_n3A_166 masked %reduce_sum3A_168 : vector<16xi32>, vector<16xi1> -> vector<16xi32>
      %reduce_sum3A_170 = vector.extract %reduce_sum3A_169[15] : i32 from vector<16xi32>
      %eq3A_171 = arith.constant 1 : i32
      %eq3A_172 = arith.cmpi eq, %reduce_sum3A_157, %eq3A_171 : i32
      %eq3A_173 = arith.constant 0 : i32
      %eq3A_174 = arith.cmpi eq, %reduce_sum3A_170, %eq3A_173 : i32
      %and3A_175 = arith.andi %eq3A_172, %eq3A_174 : i1
      %dma_wait3A_176 = arith.constant 0 : i32
      %dma_wait3A_177 = arith.constant 0 : i32
      %dma_wait3A_178 = tpu.memref_slice %arg8[%dma_wait3A_176, %dma_wait3A_177] : memref<1x16xi32, #tpu.memory_space<vmem>> -> memref<1x1xi32, #tpu.memory_space<vmem>>
      %dma_wait3A_179 = tpu.memref_squeeze %dma_wait3A_178 : memref<1x1xi32, #tpu.memory_space<vmem>> -> memref<1xi32, #tpu.memory_space<vmem>>
      %dma_wait3A_180 = arith.constant 0 : i32
      %dma_wait3A_181 = arith.constant 0 : i32
      %dma_wait3A_182 = tpu.memref_slice %arg2[%dma_wait3A_180, %dma_wait3A_181] : memref<8192x4096xf32, #tpu.memory_space<hbm>> -> memref<8192x4096xf32, #tpu.memory_space<hbm>>
      tpu.wait_indirect_dma semaphore(%arg10 : memref<!tpu.dma_semaphore, #tpu.memory_space<semaphore_mem>>) src(%dma_wait3A_182 : memref<8192x4096xf32, #tpu.memory_space<hbm>>) dst(%arg9 : memref<1x4096xf32, #tpu.memory_space<vmem>>)
      %not3A = arith.constant true
      %not3A_183 = arith.xori %and3A_175, %not3A : i1
      %convert_element_type3A_184 = arith.extui %not3A_183 : i1 to i32
      %cond3A_185 = arith.constant 0 : i32
      %cond3A_186 = arith.cmpi ne, %convert_element_type3A_184, %cond3A_185 : i32
      scf.if %cond3A_186 {
        %broadcast_in_dim3A_187 = arith.constant 0x7FC00000 : f32
        %broadcast_in_dim3A_188 = vector.broadcast %broadcast_in_dim3A_187 : f32 to vector<16xf32>
        %scan3A_189 = arith.constant 0 : i32
        %scan3A_190 = arith.constant 0 : i32
        %scan3A_191 = arith.constant 256 : i32
        %scan3A_192 = arith.addi %scan3A_190, %scan3A_191 : i32
        %scan3A_193 = arith.constant 1 : i32
        %scan3A_194 = scf.for %scan3A_196 = %scan3A_190 to %scan3A_192 step %scan3A_193 iter_args(%scan3A_197 = %scan3A_189) -> (i32)  : i32 {
          %mul3A_198 = arith.constant 16 : i32
          %mul3A_199 = arith.muli %scan3A_196, %mul3A_198 : i32
          %swap3A_200 = arith.constant 0 : i32
          %swap3A_201 = arith.index_cast %swap3A_200 : i32 to index
          %swap3A_202 = arith.index_cast %mul3A_199 : i32 to index
          %swap3A_203 = tpu.vector_load %arg9[%swap3A_201, %swap3A_202] {strides = array<i32>} : memref<1x4096xf32, #tpu.memory_space<vmem>>, vector<16xf32>,
          tpu.vector_store %arg9[%swap3A_201, %swap3A_202], %broadcast_in_dim3A_188 {strides = array<i32>} : memref<1x4096xf32, #tpu.memory_space<vmem>>, vector<16xf32>,
          %scan3A_204 = arith.constant 0 : i32
          scf.yield %scan3A_204 : i32
        }
        %scan3A_195 = arith.constant 256 : i32
      } else {
      }
      "tpu.region"() ({
        %run_scoped3A = tpu.sem_alloc : memref<!tpu.dma_semaphore, #tpu.memory_space<semaphore_mem>>
        tpu.enqueue_dma source(%arg9 : memref<1x4096xf32, #tpu.memory_space<vmem>>) target(%arg5 : memref<1x4096xf32, #tpu.memory_space<hbm>>) target_semaphore(%run_scoped3A : memref<!tpu.dma_semaphore, #tpu.memory_space<semaphore_mem>>)
        tpu.wait_dma2 semaphore(%run_scoped3A : memref<!tpu.dma_semaphore, #tpu.memory_space<semaphore_mem>>) src(%arg9 : memref<1x4096xf32, #tpu.memory_space<vmem>>) dst(%arg5 : memref<1x4096xf32, #tpu.memory_space<hbm>>)
        tpu.yield
      }) : () -> ()
    } else {
    }
    return
  }
}

</mosaic_0001>

<sc_bundles>
// kernel: kernel.3.cloned.1.call-start
scs
__scs_entry_jumppad:
0x0: {  	(pc) =	sbr.rel $0x88, $3  }
0x1: {  	(tag) =	ssettag $0x0;
	lr =	simm.s32 $0x1  }
0x2: {  	[smem:$0x3F9E] =	sst lr;
	_ =	strace $0xD0000000  }
0x3: {  	_ = 	snop  }
0x4: {  	_ = 	snop  }
0x5: {  	_ = 	snop  }
0x6: {  	_ = 	snop  }
0x7: {  	_ = 	snop  }
__scs_overlays_trampoline_lowered:
0x8: {  	[smem:$0x3FAD] =	sst s0  }
0x9: {  	[smem:$0x3FAE] =	sst s1  }
0xa: {  	[smem:$0x3FAF] =	sst s2  }
0xb: {  	[smem:$0x3FB0] =	sst s3  }
0xc: {  	[smem:$0x3FB1] =	sst s4  }
0xd: {  	[smem:$0x3FB2] =	sst s5  }
0xe: {  	[smem:$0x3FB3] =	sst s6  }
0xf: {  	[smem:$0x3FB4] =	sst s7  }
0x10: {  	[smem:$0x3FB5] =	sst s8  }
0x11: {  	[smem:$0x3FB6] =	sst s9;
	s0 =	simm.s32 @!p0 $0x0  }
0x12: {  	s1 =	sld [smem:$0x3F9C];
	s0 =	simm.s32 @p0 $0x1  }
0x13: {  	[smem:$0x3FB7] =	sst s0;
	s0 =	simm.s32 @!p1 $0x0  }
0x14: {  	s2 =	sld [smem:$0x3F9B];
	s0 =	simm.s32 @p1 $0x1  }
0x15: {  	[smem:$0x3FB8] =	sst s0;
	s0 =	simm.s32 @!p2 $0x0  }
0x16: {  	s3 =	sld [smem:$0x3FDB];
	s0 =	simm.s32 @p2 $0x1  }
0x17: {  	s4 =	simm.s32 $0x1BF5;
	[smem:$0x3FBA] =	sst s0  }
0x18: {  	s0 =	sld [smem:$0x3F9D];
	_ =	swait.ge [sflag:s4], $0x0  }
0x19: {  	s7 =	sld [smem:$0x3F9E]  }
0x1a: {  	s8 =	sadd.s32 $0xFFFFE003, lr  }
0x1b: {  	s9 =	sadd.s32 $0xFFFFFEF7, lr;
	s5 =	simm.s32 $0xFFFFFFFF;
	p2 =	slt.u32 s8, $0xFFFFF086  }
0x1c: {  	p1 =	slt.u32 s9, $0xF7A;
	s5 =	simm.s32 @!p2 $0x0  }
0x1d: {  	s5 =	simm.s32 @p1 $0x1;
	p0 =	seq.s32 s7, s2  }
0x1e: {  	s7 =	smul.u32 @!p0 $0xF7A, s2;
	p2 =	seq.s32 @!p0 s5, $0x0  }
0x1f: {  	s9 =	smul.u32 $0xF7A, s1;
	s8 =	simm.s32 @!p0 $0x1BF5;
	p2 =	por !p2, p0  }
0x20: {  	[sflag:s8] =	ssyncset.s32 @!p0 $0xFFFFF086;
	s6 =	sadd.s32 @!p0 s3, s7;
	s7 =	simm.s32 @!p0 $0x108  }
0x21: {  	s3 =	sadd.s32 s3, s9;
	s6 =	sadd.s32 @!p0 $0x88, s6;
	s7 =	simm.s32 @p2 $0x1082  }
0x22: {  	[simem:s7], [sflag:s8] =	dma.local @!p0 [hbm:s6], $0xF7A  }
0x23: {  	s9 =	sor.u32 $0xD0000000, s2;
	s6 =	simm.s32 $0x108;
	_ =	swait.ge @!p0 [sflag:s8], $0x0  }
0x24: {  	s3 =	sadd.s32 $0x88, s3;
	s6 =	simm.s32 @!p1 $0x1082;
	[sflag:s4] =	ssyncset.s32 $0xFFFFF086  }
0x25: {  	[simem:s6], [sflag:s4] =	dma.local [hbm:s3], $0xF7A  }
0x26: {  	[smem:$0x3F9E] =	sst s1;
	(tag) =	ssettag s2;
	_ =	strace s9  }
0x27: {  	s1 =	sld [smem:$0x3FAE]  }
0x28: {  	s2 =	sld [smem:$0x3FAF]  }
0x29: {  	s4 =	sld [smem:$0x3FB1]  }
0x2a: {  	p0 =	seq.s32 s5, $0x0;
	s5 =	sld [smem:$0x3FB2]  }
0x2b: {  	s6 =	sld [smem:$0x3FB3]  }
0x2c: {  	s7 =	sld [smem:$0x3FB4]  }
0x2d: {  	s3 =	simm.s32 $0x108;
	s8 =	sld [smem:$0x3FB5]  }
0x2e: {  	s3 =	simm.s32 @!p0 $0x1082;
	s9 =	sld [smem:$0x3FB6]  }
0x2f: {  	lr =	sadd.s32 s0, s3;
	s0 =	sld [smem:$0x3FAD]  }
0x30: {  	s3 =	sld [smem:$0x3FB0]  }
0x31: {  	[smem:$0x3FB9] =	sst s10  }
0x32: {  	s10 =	sld [smem:$0x3FB7];
	_ =	sdelay $0x3  }
0x33: {  	p0 =	seq.s32 s10, $0x1;
	s10 =	sld [smem:$0x3FB9];
	_ =	sdelay $0x3  }
0x34: {  	[smem:$0x3FB9] =	sst s10  }
0x35: {  	s10 =	sld [smem:$0x3FB8];
	_ =	sdelay $0x3  }
0x36: {  	p1 =	seq.s32 s10, $0x1;
	s10 =	sld [smem:$0x3FB9];
	_ =	sdelay $0x3  }
0x37: {  	[smem:$0x3FB9] =	sst s10  }
0x38: {  	s10 =	sld [smem:$0x3FBA]  }
0x39: {  	_ = 	snop;
	(pc) =	sbr.ind lr, $3  }
0x3a: {  	_ = 	snop  }
0x3b: {  	_ = 	snop  }
0x3c: {  	p2 =	seq.s32 s10, $0x1;
	s10 =	sld [smem:$0x3FB9]  }
0x3d: {  	_ =	shalt  }
0x3e: {  	_ =	shalt  }
0x3f: {  	_ =	shalt  }
0x40: {  	_ =	shalt  }
0x41: {  	_ =	shalt  }
0x42: {  	_ =	shalt  }
0x43: {  	_ =	shalt  }
0x44: {  	_ =	shalt  }
0x45: {  	_ =	shalt  }
0x46: {  	_ =	shalt  }
0x47: {  	_ =	shalt  }
0x48: {  	_ =	shalt  }
0x49: {  	_ =	shalt  }
0x4a: {  	_ =	shalt  }
0x4b: {  	_ =	shalt  }
0x4c: {  	_ =	shalt  }
0x4d: {  	_ =	shalt  }
0x4e: {  	_ =	shalt  }
0x4f: {  	_ =	shalt  }
0x50: {  	_ =	shalt  }
0x51: {  	_ =	shalt  }
0x52: {  	_ =	shalt  }
0x53: {  	_ =	shalt  }
0x54: {  	_ =	shalt  }
0x55: {  	_ =	shalt  }
0x56: {  	_ =	shalt  }
0x57: {  	_ =	shalt  }
0x58: {  	_ =	shalt  }
0x59: {  	_ =	shalt  }
0x5a: {  	_ =	shalt  }
0x5b: {  	_ =	shalt  }
0x5c: {  	_ =	shalt  }
0x5d: {  	_ =	shalt  }
0x5e: {  	_ =	shalt  }
0x5f: {  	_ =	shalt  }
0x60: {  	_ =	shalt  }
0x61: {  	_ =	shalt  }
0x62: {  	_ =	shalt  }
0x63: {  	_ =	shalt  }
0x64: {  	_ =	shalt  }
0x65: {  	_ =	shalt  }
0x66: {  	_ =	shalt  }
0x67: {  	_ =	shalt  }
0x68: {  	_ =	shalt  }
0x69: {  	_ =	shalt  }
0x6a: {  	_ =	shalt  }
0x6b: {  	_ =	shalt  }
0x6c: {  	_ =	shalt  }
0x6d: {  	_ =	shalt  }
0x6e: {  	_ =	shalt  }
0x6f: {  	_ =	shalt  }
0x70: {  	_ =	shalt  }
0x71: {  	_ =	shalt  }
0x72: {  	_ =	shalt  }
0x73: {  	_ =	shalt  }
0x74: {  	_ =	shalt  }
0x75: {  	_ =	shalt  }
0x76: {  	_ =	shalt  }
0x77: {  	_ =	shalt  }
0x78: {  	_ =	shalt  }
0x79: {  	_ =	shalt  }
0x7a: {  	_ =	shalt  }
0x7b: {  	_ =	shalt  }
0x7c: {  	_ =	shalt  }
0x7d: {  	_ =	shalt  }
0x7e: {  	_ =	shalt  }
0x7f: {  	_ =	shalt  }
0x80: {  	_ =	shalt  }
0x81: {  	_ =	shalt  }
0x82: {  	_ =	shalt  }
0x83: {  	_ =	shalt  }
0x84: {  	_ =	shalt  }
0x85: {  	_ =	shalt  }
0x86: {  	_ =	shalt  }
0x87: {  	_ =	shalt  }
.Lfunc_end0:
.L_simem_size_0:
called_computation_lowered:
.L_overlay_start_0:
0x88: {  	s0 =	sld [smem:$0x3FD9]  }
0x89: {  	s1 =	sld [smem:$0x3FFE];
	_ =	sdelay $0x3  }
0x8a: {  	s0 =	sadd.s32 s1, s0  }
0x8b: {  	[smem:$0x3FC5] =	sst s0  }
0x8c: {  	_ = 	snop  }
0x8d: {  	s0 =	sld [smem:$0x3FC9]  }
0x8e: {  	s17 =	sld [smem:$0x3FC8]  }
0x8f: {  	s2 =	sld [smem:$0x3FC7]  }
0x90: {  	s3 =	sld [smem:$0x3FD0];
	(tm) =	ssettm $0x1  }
0x91: {  	s4 =	sld [smem:$0x3FFB];
	_ =	sdelay $0x3  }
0x92: {  	_ =	strace s4  }
0x93: {  	s4 =	sld [smem:$0x3FFC];
	_ =	sdelay $0x3  }
0x94: {  	_ =	strace s4  }
0x95: {  	s4 =	sld [smem:$0x3FFD];
	_ =	sdelay $0x3  }
0x96: {  	_ =	strace s4  }
0x97: {  	_ =	strace $0x8FFFFFFF  }
0x98: {  	s18 =	sld [smem:$0x3FDB];
	_ =	sdelay $0x1  }
0x99: {  	s5 =	simm.s32 $_scs_section_size  }
0x9a: {  	s6 =	simm.s32 $_size__tile_overlayer_lowered;
	s7 =	simm.s32 $_tile_overlayer_lowered  }
0x9b: {  	s21 =	simm.s32 $0x1BFF;
	s20 =	sshll.u32 s7, $0x1;
	s4 =	sadd.s32 s5, s18  }
0x9c: {  	s8 =	simm.s32 $0x0;
	s19 =	sshll.u32 s6, $0x1;
	s6 =	sadd.s32 s20, s4  }
0x9d: {  	[timem:s8], [sflag:s21] =	dma.local [hbm:s6], s19  }
0x9e: {  	_ =	swait.ge [sflag:s21], s19  }
0x9f: {  	s5 =	ssub.s32 $0x0, s19;
	[sflag:s21] =	ssyncset.done $0x0  }
0xa0: {  	[sflag:s21] =	ssyncadd.s32 s5;
	_ =	sdelay $0x1  }
0xa1: {  	s22 =	simm.s32 $0x1B8B  }
0xa2: {  	_ =	swait.ge [sflag:s22], $0x1  }
0xa3: {  	[sflag:s22] =	ssyncset.done $0x0  }
0xa4: {  	s23 =	simm.s32 $0x1B8E;
	[sflag:s22] =	ssyncadd.s32 $0xFFFFFFFF  }
0xa5: {  	s24 =	simm.s32 $execute0_lowered;
	[smem:$0x3FD2] =	sst s23  }
0xa6: {  	s5 =	sshll.u32 s24, $0x1;
	_ =	strace $0x80000046;
	[dreg:$0x1] =	wrdreg $0xFFFFFFFF  }
0xa7: {  	s25 =	simm.s32 $_size_execute0_lowered;
	s4 =	sadd.s32 s4, s5;
	[dreg:$0x0] =	wrdreg $0x0  }
0xa8: {  	s5 =	sshll.u32 s25, $0x1;
	[dreg:$0x2] =	wrdreg s4  }
0xa9: {  	[dreg:$0x3] =	wrdreg s5  }
0xaa: {  	[dreg:$0x4] =	wrdreg $0xC0  }
0xab: {  	_ =	task [dreg:s8], $0x5FFFF  }
0xac: {  	[dreg:$0x1] =	wrdreg $0xFFFFFFFF  }
0xad: {  	[dreg:$0x0] =	wrdreg $0x60  }
0xae: {  	[dreg:$0x2] =	wrdreg s0  }
0xaf: {  	[dreg:$0x3] =	wrdreg s17  }
0xb0: {  	[dreg:$0x4] =	wrdreg s2  }
0xb1: {  	[dreg:$0x5] =	wrdreg s3  }
0xb2: {  	[dreg:$0x6] =	wrdreg $0x9  }
0xb3: {  	_ =	task.clear_ibuf [dreg:s8], $0x7FFFF;
	_ =	strace $0x90000046  }
0xb4: {  	s26 =	simm.s32 $0x9;
	_ =	strace $0x80000048  }
0xb5: {  	_ =	swait.ge [sflag:s26], $0x1  }
0xb6: {  	[sflag:s26] =	ssyncadd.s32 $0xFFFFFFFF  }
0xb7: {  	_ =	strace $0x90000048  }
0xb8: {  	_ =	sfence  }
0xb9: {  	s28 =	sld [smem:$0x0];
	_ =	sdelay $0x1  }
0xba: {  	s29 =	srdreg.scid  }
0xbb: {  	s30 =	sshll.u32 s29, $0xD;
	s31 =	sshrl.u32 s29, $0x2  }
0xbc: {  	s1 =	sand.u32 $0x1, s29;
	s2 =	sand.u32 $0x4000, s30;
	s0 =	sadd.s32 s31, s28  }
0xbd: {  	s1 =	sor.u32 s2, s1;
	s0 =	sshll.u32 s0, $0x11  }
0xbe: {  	s0 =	sor.u32 s0, s1  }
0xbf: {  	s0 =	sadd.s32 $0x8F2B, s0  }
0xc0: {  	[sflag:s0] =	ssyncadd.remote.s32 $0x1  }
0xc1: {  	_ =	sfence.sel $0xFFFF  }
0xc2: {  	[dreg:$0x0] =	wrdreg $0xFFFFFFFF;
	(pc) =	sbr.abs _section_cstart, $3  }
0xc3: {  	[dreg:$0x1] =	wrdreg $0xFFFFFFFF  }
0xc4: {  	_ =	task.clear_ibuf [dreg:s8], $0x2FFFF;
	_ =	strace $0x9FFFFFFF  }
0xc5: {  	(tm) =	ssettm $0x7FFFFFFF  }
tec
execute0_lowered:
.L_overlay_start_1:
0x0: {  	(tag) =	ssettag $0x1  }
0x1: {  	s6 =	stileid.u32  }
0x2: {  	s3 =	rddreg [dreg:$0x0];
	p0 =	sne.s32 s6, $0x0  }
.Ltmp0:
0x3: {  	s2 =	rddreg [dreg:$0x1];
	(pc) =	sbr.rel @p0 .LBB2_10-.Ltmp0, $4  }
0x4: {  	s4 =	rddreg [dreg:$0x2]  }
0x5: {  	s1 =	rddreg [dreg:$0x3];
	s5 =	simm.s32 $0x0  }
0x6: {  	[smem:$0x7FF] =	sst s5  }
0x7: {  	s0 =	rddreg [dreg:$0x4];
	_ =	strace $0x80000047  }
0x8: {  	[tilespmem:s5], [sflag:$0x2] =	stream.linear.gather [hbm4b:s4+s5], $0x1000, $0x38;
	[tilespmem:$0x3180] =	vst v63  }
0x9: {  	s30 =	sadd.s32 $0x200, s4;
	s6 =	simm.s32 $0x1000;
	s31 =	simm.s32 $0x2  }
0xa: {  	[tilespmem:s6], [sflag:$0x3] =	stream.linear.gather [hbm4b:s30+s5], $0x1000, $0x38;
	[tilespmem:$0x3180] =	vst v63  }
0xb: {  	_ =	swait.ge [sflag:s31], $0x1000  }
0xc: {  	[sflag:s31] =	ssyncset.done $0x0  }
0xd: {  	s7 =	simm.s32 $0x0;
	[sflag:s31] =	ssyncadd.s32 $0xFFFFF000  }
0xe: {  	v2 =	vld [tilespmem:s7+$0x0]  }
0xf: {  	v3 =	vld [tilespmem:s7+$0x10]  }
0x10: {  	v4 =	vld [tilespmem:s7+$0x20]  }
0x11: {  	v0 =	vld [tilespmem:s7+$0x30]  }
0x12: {  	v5 =	vimm.s32 $0x0;
	v1 =	vld [tilespmem:s7+$0x40]  }
0x13: {  	v5 =	vadd.s32 v5, v2;
	v2 =	vld [tilespmem:s7+$0x50]  }
0x14: {  	v5 =	vadd.s32 v3, v5;
	v3 =	vld [tilespmem:s7+$0x60]  }
0x15: {  	s4 =	sadd.s32 $0x800, s3;
	s5 =	simm.s32 $0x80;
	s6 =	simm.s32 $0x400;
	v5 =	vadd.s32 v4, v5;
	v4 =	vld [tilespmem:s7+$0x70]  }
.LBB2_2:
0x16: {  	p1 =	sne.s32 s6, $0x3E00;
	v6 =	vld [tilespmem:s5+$0x0];
	v0 =	vadd.s32 v0, v5  }
0x17: {  	v5 =	vld [tilespmem:s5+$0x10];
	v0 =	vadd.s32 v1, v0  }
0x18: {  	v7 =	vld [tilespmem:s5+$0x20];
	v1 =	vadd.s32 v2, v0  }
.Ltmp1:
0x19: {  	v0 =	vld [tilespmem:s5+$0x30];
	v2 =	vadd.s32 v3, v1;
	(pc) =	sbr.rel @p1 .LBB2_2-.Ltmp1, $4  }
0x1a: {  	v1 =	vld [tilespmem:s5+$0x40];
	v2 =	vadd.s32 v4, v2  }
0x1b: {  	v3 =	vadd.s32 v2, v6;
	v2 =	vld [tilespmem:s5+$0x50]  }
0x1c: {  	v4 =	vadd.s32 v5, v3;
	v3 =	vld [tilespmem:s5+$0x60]  }
0x1d: {  	v5 =	vadd.s32 v7, v4;
	v4 =	vld [tilespmem:s5+$0x70];
	s5 =	sshra.s32 s6, $0x2;
	s6 =	sadd.s32 $0x200, s6  }
0x1e: {  	v6 =	vld [tilespmem:s5+$0x0]  }
0x1f: {  	v7 =	vld [tilespmem:s5+$0x10]  }
0x20: {  	v8 =	vld [tilespmem:s5+$0x20];
	v0 =	vadd.s32 v0, v5  }
0x21: {  	v5 =	vld [tilespmem:s5+$0x30];
	v0 =	vadd.s32 v1, v0  }
0x22: {  	v1 =	vld [tilespmem:s5+$0x40];
	v0 =	vadd.s32 v2, v0  }
0x23: {  	v2 =	vld [tilespmem:s5+$0x50];
	v0 =	vadd.s32 v3, v0  }
0x24: {  	s31 =	simm.s32 $0x3;
	v3 =	vld [tilespmem:s5+$0x60];
	v0 =	vadd.s32 v4, v0  }
0x25: {  	v4 =	vld [tilespmem:s5+$0x70];
	_ =	swait.ge [sflag:s31], $0x1000;
	v0 =	vadd.s32 v0, v6  }
0x26: {  	[sflag:s31] =	ssyncset.done $0x0;
	v0 =	vadd.s32 v7, v0  }
0x27: {  	s7 =	simm.s32 $0x0;
	[sflag:s31] =	ssyncadd.s32 $0xFFFFF000;
	v0 =	vadd.s32 v8, v0  }
0x28: {  	v0 =	vadd.s32 v5, v0;
	v5 =	vld [tilespmem:s7+$0x1000]  }
0x29: {  	v6 =	vld [tilespmem:s7+$0x1010];
	v0 =	vadd.s32 v1, v0  }
0x2a: {  	v7 =	vld [tilespmem:s7+$0x1020];
	v0 =	vadd.s32 v2, v0  }
0x2b: {  	v1 =	vadd.s32 v3, v0;
	v0 =	vld [tilespmem:s7+$0x1030]  }
0x2c: {  	v2 =	vadd.s32 v4, v1;
	v1 =	vld [tilespmem:s7+$0x1040]  }
0x2d: {  	v3 =	vadd.s32 v2, v5;
	v2 =	vld [tilespmem:s7+$0x1050]  }
0x2e: {  	v4 =	vadd.s32 v6, v3;
	v3 =	vld [tilespmem:s7+$0x1060]  }
0x2f: {  	s6 =	simm.s32 $0x400;
	s5 =	simm.s32 $0x80;
	v5 =	vadd.s32 v7, v4;
	v4 =	vld [tilespmem:s7+$0x1070]  }
.LBB2_4:
0x30: {  	p1 =	sne.s32 s6, $0x3E00;
	v6 =	vld [tilespmem:s5+$0x1000];
	v0 =	vadd.s32 v0, v5  }
0x31: {  	v5 =	vld [tilespmem:s5+$0x1010];
	v0 =	vadd.s32 v1, v0  }
0x32: {  	v7 =	vld [tilespmem:s5+$0x1020];
	v1 =	vadd.s32 v2, v0  }
.Ltmp2:
0x33: {  	v0 =	vld [tilespmem:s5+$0x1030];
	v2 =	vadd.s32 v3, v1;
	(pc) =	sbr.rel @p1 .LBB2_4-.Ltmp2, $4  }
0x34: {  	v1 =	vld [tilespmem:s5+$0x1040];
	v2 =	vadd.s32 v4, v2  }
0x35: {  	v3 =	vadd.s32 v2, v6;
	v2 =	vld [tilespmem:s5+$0x1050]  }
0x36: {  	v4 =	vadd.s32 v5, v3;
	v3 =	vld [tilespmem:s5+$0x1060]  }
0x37: {  	v5 =	vadd.s32 v7, v4;
	v4 =	vld [tilespmem:s5+$0x1070];
	s5 =	sshra.s32 s6, $0x2;
	s6 =	sadd.s32 $0x200, s6  }
0x38: {  	v6 =	vld [tilespmem:s5+$0x1000];
	v0 =	vadd.s32 v0, v5  }
0x39: {  	v44 =	vld [tilespmem:s5+$0x1010];
	v0 =	vadd.s32 v1, v0  }
0x3a: {  	v45 =	vld [tilespmem:s5+$0x1020];
	v0 =	vadd.s32 v2, v0  }
0x3b: {  	v46 =	vld [tilespmem:s5+$0x1030];
	v0 =	vadd.s32 v3, v0  }
0x3c: {  	v47 =	vld [tilespmem:s5+$0x1040];
	v0 =	vadd.s32 v4, v0  }
0x3d: {  	v48 =	vld [tilespmem:s5+$0x1050];
	v0 =	vadd.s32 v0, v6  }
0x3e: {  	v49 =	vld [tilespmem:s5+$0x1060];
	v0 =	vadd.s32 v44, v0  }
0x3f: {  	v50 =	vld [tilespmem:s5+$0x1070];
	v0 =	vadd.s32 v45, v0  }
0x40: {  	v0 =	vadd.s32 v46, v0  }
0x41: {  	v0 =	vadd.s32 v47, v0  }
0x42: {  	v0 =	vadd.s32 v48, v0  }
0x43: {  	v0 =	vadd.s32 v49, v0  }
0x44: {  	v0 =	vadd.s32 v50, v0  }
0x45: {  	(xrf0) =	vadd.scan.msk.s32 $0xffff, v0;
	_ =	sdelay $0x5  }
0x46: {  	v0, _, _ =	vpop (xrf0)  }
0x47: {  	(v2sf) =	vpush v0, $0xF;
	_ =	sdelay $0xe  }
0x48: {  	s7 =	spop (v2sf)  }
0x49: {  	s8 =	sadd.s32 $0xFFFFFFFF, s7  }
0x4a: {  	p1 =	sgt.s32 s8, $0x0;
	s5 =	smov.u32 s8  }
0x4b: {  	s5 =	simm.s32 @!p1 $0x0  }
0x4c: {  	v51 =	vmov s5  }
0x4d: {  	[tilespmem:$0x2100] =	vst v51  }
0x4e: {  	v0 =	vld.msk [tilespmem:$0x2100], $0x1;
	_ =	sdelay $0x4  }
0x4f: {  	v52 =	vshll.u32 v0, $0x5  }
0x50: {  	v0 =	vand.u32 $0x7, v0;
	v1 =	vand.u32 $0xFFFFFF00, v52  }
0x51: {  	v53 =	vimm.s32 $0x0;
	v54 =	vlaneseq.u32;
	v0 =	vor.u32 v0, v1  }
0x52: {  	v55 =	vmul.u32 $0x8, v54;
	v0 =	vperm.xlane v0, v53;
	_ =	sdelay $0x1  }
0x53: {  	v0 =	vadd.s32 v55, v0;
	_ =	sdelay $0x3  }
0x54: {  	vm0 =	vmmov $0xffff;
	s6 =	simm.s32 $0x2180;
	s16 =	sadd.s32 $0xFFFFFFFE, s7;
	s5 =	simm.s32 $0x0  }
0x55: {  	[tilespmem:s6], [sflag:$0x1] =	stream.indirect_vreg.gather [hbm4b:s3+s5], $0x80, v0, vm0, $0xb8;
	[tilespmem:$0x3180] =	vst v63  }
0x56: {  	s15 =	simm.s32 $0x2980;
	s17 =	sshra.s32 s16, $0x1F  }
0x57: {  	[tilespmem:s15], [sflag:$0x1] =	stream.indirect_vreg.gather [hbm4b:s4+s5], $0x80, v0, vm0, $0xb8;
	[tilespmem:$0x3180] =	vst v63  }
0x58: {  	s4 =	sshrl.u32 s17, $0x19  }
0x59: {  	s18 =	sshra.s32 s8, $0x1F;
	s4 =	sadd.s32 s4, s16  }
0x5a: {  	s7 =	sshrl.u32 s18, $0x19;
	s9 =	sshrl.u32 s4, $0x3  }
0x5b: {  	s7 =	sadd.s32 s7, s8;
	s9 =	sand.u32 $0x1FFFFFF0, s9  }
0x5c: {  	s10 =	simm.s32 $0x2000;
	s19 =	sshrl.u32 s7, $0x3;
	s9 =	sadd.s32 s2, s9  }
0x5d: {  	[tilespmem:s10], [sflag:$0x2] =	stream.linear.gather [hbm4b:s9+s5], $0x80, $0x38;
	[tilespmem:$0x3180] =	vst v63  }
0x5e: {  	s21 =	simm.s32 $0x2080;
	s22 =	simm.s32 $0x2;
	s9 =	sand.u32 $0x1FFFFFF0, s19  }
0x5f: {  	s24 =	simm.s32 $0x3;
	s4 =	sand.u32 $0xFFFFFF80, s4;
	s20 =	sadd.s32 s2, s9  }
0x60: {  	[tilespmem:s21], [sflag:$0x3] =	stream.linear.gather [hbm4b:s20+s5], $0x80, $0x38;
	[tilespmem:$0x3180] =	vst v63  }
0x61: {  	s7 =	sand.u32 $0xFFFFFF80, s7;
	s3 =	ssub.s32 s16, s4;
	_ =	swait.ge [sflag:s22], $0x80  }
0x62: {  	s23 =	ssub.s32 s8, s7;
	s4 =	sshra.s32 s3, $0x1F;
	[sflag:s22] =	ssyncset.done $0x0  }
0x63: {  	s8 =	sshra.s32 s23, $0x1F;
	s4 =	sshrl.u32 s4, $0x1C;
	[sflag:s22] =	ssyncadd.s32 $0xFFFFFF80  }
0x64: {  	s8 =	sshrl.u32 s8, $0x1C;
	s4 =	sadd.s32 s4, s3;
	_ =	swait.ge [sflag:s24], $0x80  }
0x65: {  	s8 =	sadd.s32 s8, s23;
	s25 =	sshll.u32 s4, $0x2;
	[sflag:s24] =	ssyncset.done $0x0  }
0x66: {  	s26 =	sand.u32 $0xFFFFFFF0, s8;
	s28 =	sshra.s32 s25, $0x2;
	[sflag:s24] =	ssyncadd.s32 $0xFFFFFF80  }
0x67: {  	s8 =	sand.u32 $0xFFFFFFF0, s28;
	v56 =	vld [tilespmem:s26+$0x2080]  }
0x68: {  	v57 =	vld [tilespmem:s8+$0x2000];
	_ =	sdelay $0x1  }
0x69: {  	s2 =	ssub.s32 s23, s26;
	s4 =	sand.u32 $0xFFFFFFF0, s4  }
0x6a: {  	v58 =	vmov s2;
	s29 =	ssub.s32 s3, s4  }
0x6b: {  	vm13 =	veq.s32 v58, v54;
	v59 =	vmov s29;
	vm1 =	veq.s32 v56, $0x1FFF  }
0x6c: {  	vm14 =	veq.s32 v59, v54;
	vm2 =	veq.s32 v57, $0x1FFF;
	vm0 =	vmand vm13, vm1  }
0x6d: {  	vm15 =	vmand vm14, vm2;
	v60 =	vsel vm0, $0x1, v53  }
0x6e: {  	v61 =	vsel vm15, $0x1, v53;
	(xrf0) =	vadd.scan.msk.s32 $0xffff, v60  }
0x6f: {  	(xrf0) =	vadd.scan.msk.s32 $0xffff, v61;
	_ =	sdelay $0x4  }
0x70: {  	v62, _, _ =	vpop (xrf0)  }
0x71: {  	(v2sf) =	vpush v62, $0xF;
	v63, _, _ =	vpop (xrf0)  }
0x72: {  	(v2sf) =	vpush v63, $0xF;
	_ =	sdelay $0xd  }
0x73: {  	s30 =	spop (v2sf)  }
0x74: {  	s3 =	spop (v2sf);
	p1 =	sne.s32 s30, $0x1  }
0x75: {  	p2 =	seq.s32 @!p1 s3, $0x0  }
0x76: {  	p2 =	por p1, !p2  }
.Ltmp3:
0x77: {  	_ = 	snop;
	(pc) =	sbr.rel @!p2 .LBB2_9-.Ltmp3, $4  }
0x78: {  	s31 =	simm.s32 $0x1  }
0x79: {  	_ =	swait.ge [sflag:s31], $0x1000  }
0x7a: {  	[sflag:s31] =	ssyncset.done $0x0  }
0x7b: {  	[sflag:s31] =	ssyncadd.s32 $0xFFFFF000  }
0x7c: {  	s3 =	simm.s32 $0x0  }
0x7d: {  	s3 =	simm.s32 @p1 $0x0  }
0x7e: {  	p1 =	sne.s32 s3, $0x3FC0  }
.Ltmp4:
0x7f: {  	_ = 	snop;
	(pc) =	sbr.rel @!p1 .LBB2_8-.Ltmp4, $2  }
0x80: {  	_ =	sdelay $0x2  }
0x81: {  	v0 =	vimm.f32 $NaN;
	s2 =	sadd.s32 $0x40, s3;
	s3 =	sshra.s32 s3, $0x2  }
.LBB2_7:
0x82: {  	p1 =	sne.s32 s2, $0x3FC0;
	[tilespmem:s3+$0x2180] =	vst v0;
	s3 =	smov.u32 s2;
	s2 =	sadd.s32 $0x40, s2  }
.Ltmp5:
0x83: {  	(pc) =	sbr.rel @p1 .LBB2_7-.Ltmp5, $2  }
0x84: {  	_ =	sdelay $0x2  }
0x85: {  	s3 =	sshra.s32 s3, $0x2  }
.LBB2_8:
0x86: {  	[tilespmem:s3+$0x2180] =	vst v0  }
.LBB2_9:
0x87: {  	[hbm4b:s1+s5] =	stream.linear.scatter [tilespmem:s6], [sflag:$0x4], $0x1000, $0x38;
	[tilespmem:$0x3180] =	vst v63  }
0x88: {  	s31 =	simm.s32 $0x4  }
0x89: {  	_ =	swait.ge [sflag:s31], $0x1000  }
0x8a: {  	[sflag:s31] =	ssyncset.done $0x0  }
0x8b: {  	[sflag:s31] =	ssyncadd.s32 $0xFFFFF000  }
.LBB2_10:
0x8c: {  	_ =	sfence.sel $0x180000  }
0x8d: {  	[bflag:$0x0] =	sbarrier.arrive $0xFFFF  }
0x8e: {  	_ =	strace $0x90000047  }
0x8f: {  	s0 =	sadd.s32 @!p0 $0x100000, s0;
	[bflag:$0x2] =	sbarrier.arrive $0xFFFF  }
0x90: {  	[sflag:s0] =	ssyncadd.tile.s32 @!p0 $0x1;
	_ =	shalt  }
.Lfunc_end2:
_tile_overlayer_lowered:
.L_overlay_start_2:
0x91: {  	(tag) =	ssettag $0x2  }
0x92: {  	s0 =	rddreg [dreg:$0x0];
	s2 =	stileid.u32  }
0x93: {  	s1 =	rddreg [dreg:$0x1];
	p0 =	sne.s32 s2, $0x0  }
0x94: {  	s3 =	rddreg [dreg:$0x2];
	[bflag:$0x3] =	sbarrier.arrive $0xFFFF;
	s2 =	simm.s32 @!p0 $0x1C04  }
0x95: {  	[timem:s3], [sflag:s2] =	dma.local @!p0 [hbm:s0], s1  }
0x96: {  	s0 =	simm.s32 @!p0 $0x4  }
0x97: {  	_ =	swait.ge @!p0 [sflag:s0], s1  }
0x98: {  	s1 =	ssub.s32 @!p0 $0x0, s1;
	[sflag:s0] =	ssyncset.done @!p0 $0x0  }
0x99: {  	[sflag:s0] =	ssyncadd.s32 @!p0 s1  }
0x9a: {  	[bflag:$0x3] =	sbarrier.arrive $0xFFFF  }
0x9b: {  	_ =	shalt  }

</sc_bundles>
